<compile_context>
chip_gen: v7x
topology: tpu7x:2x2x1
jax: 0.10.2.dev20260603
libtpu: 0.0.44.dev20260713+nightly
codegen_flags: <defaults>
</compile_context>

<pallas_src>
import jax
import jax.numpy as jnp
from jax import lax
from jax.experimental import pallas as pl
from jax.experimental.pallas import tpu as pltpu
from jax.experimental.pallas import tpu_sc as plsc

_NC = 2
_NS = 16
_NW = _NC * _NS
_L = 16
_NCHUNK = 2


def _quantize_body(x_hbm, bins_hbm, out_hbm, bins_v,
                   x_v0, x_v1, o_v0, o_v1, si0, si1, so0, so1, sbins):
    wid = lax.axis_index("s") * _NC + lax.axis_index("c")
    ch = x_v0.shape[0]
    base = wid * (ch * _NCHUNK)

    x_bufs, o_bufs = (x_v0, x_v1), (o_v0, o_v1)
    si, so = (si0, si1), (so0, so1)

    def in_copy(c):
        return pltpu.async_copy(
            x_hbm.at[pl.ds(base + c * ch, ch)], x_bufs[c % 2], si[c % 2])

    def out_copy(c):
        return pltpu.async_copy(
            o_bufs[c % 2], out_hbm.at[pl.ds(base + c * ch, ch)], so[c % 2])

    h_in = [None] * _NCHUNK
    h_out = [None] * _NCHUNK
    h_in[0] = in_copy(0)
    h_bins = pltpu.async_copy(bins_hbm, bins_v, sbins)
    h_in[1] = in_copy(1)
    h_bins.wait()

    n_bins = bins_v.shape[0]
    inv_w = (n_bins - 1) / 2.0
    off = inv_w + 0.5
    hi = n_bins - 0.5

    for c in range(_NCHUNK):
        x_v, o_v = x_bufs[c % 2], o_bufs[c % 2]
        h_in[c].wait()
        if c >= 2:
            h_out[c - 2].wait()

        @plsc.parallel_loop(0, ch // _L, unroll=8)
        def _step(i):
            v = x_v[pl.ds(i * _L, _L)]
            u = v * inv_w + off
            u = jnp.minimum(jnp.maximum(u, 0.0), hi)
            idx = u.astype(jnp.int32)
            o_v[pl.ds(i * _L, _L)] = plsc.load_gather(bins_v, [idx])

        h_out[c] = out_copy(c)
        if c + 2 < _NCHUNK:
            h_in[c + 2] = in_copy(c + 2)

    h_out[_NCHUNK - 2].wait()
    h_out[_NCHUNK - 1].wait()


def kernel(x, bins):
    B, F = x.shape
    n = B * F
    ch = n // (_NW * _NCHUNK)
    xf = x.reshape(n)
    mesh = plsc.VectorSubcoreMesh(core_axis_name="c", subcore_axis_name="s")
    run = pl.kernel(
        _quantize_body,
        out_type=jax.ShapeDtypeStruct((n,), jnp.float32),
        mesh=mesh,
        scratch_types=[
            pltpu.VMEM((bins.shape[0],), jnp.float32),
            pltpu.VMEM((ch,), jnp.float32),
            pltpu.VMEM((ch,), jnp.float32),
            pltpu.VMEM((ch,), jnp.float32),
            pltpu.VMEM((ch,), jnp.float32),
            pltpu.SemaphoreType.DMA,
            pltpu.SemaphoreType.DMA,
            pltpu.SemaphoreType.DMA,
            pltpu.SemaphoreType.DMA,
            pltpu.SemaphoreType.DMA,
        ],
        compiler_params=pltpu.CompilerParams(needs_layout_passes=False),
    )
    return run(xf, bins).reshape(B, F)

# --- scband reference (transcript-rebuilt; emitter-appended) ---
"""Pipeline reference for scband-quantization-layer-81913616269632 (READ-ONLY COPY).

The authoritative reference and input builder live on the scoring server;
editing this copy changes nothing except your own understanding.
"""

import jax, jax.numpy as jnp
import numpy as np

BIT_LEVEL = 8

def setup_inputs(seed: int = 0) -> dict:
    key = jax.random.key(seed)
    B, F = 4096, 128
    x = jax.random.normal(jax.random.fold_in(key, 0), (B, F), dtype=jnp.float32)
    n_bins = 2 ** BIT_LEVEL
    bin_width = 2.0 / (n_bins - 1)
    bins = jnp.asarray(np.array([-1.0 + i * bin_width for i in range(n_bins)], dtype=np.float32))
    return {"x": x, "bins": bins}

def reference(x, bins):
    # repeat x along a new bins axis, compute |x - bin| for every bin,
    # take argmin over bins, then gather the nearest bin value
    bin_distance = jnp.abs(x[:, :, None] - bins[None, None, :])
    indices = jnp.argmin(bin_distance, axis=2)
    return bins[indices]

if __name__ == "__main__":
    import jax
    _d = setup_inputs()
    print(jax.jit(kernel)(*tuple(_d.values())))

</pallas_src>

<mosaic_0001>
#map = affine_map<(d0, d1) -> (0)>
module attributes {stable_mosaic.version = 14 : i64} {
  func.func @_quantize_body(%arg0: i32, %arg1: i32, %arg2: memref<524288xf32, #tpu.memory_space<hbm>>, %arg3: memref<256xf32, #tpu.memory_space<hbm>>, %arg4: memref<524288xf32, #tpu.memory_space<hbm>>, %arg5: memref<256xf32, #tpu.memory_space<vmem>>, %arg6: memref<8192xf32, #tpu.memory_space<vmem>>, %arg7: memref<8192xf32, #tpu.memory_space<vmem>>, %arg8: memref<8192xf32, #tpu.memory_space<vmem>>, %arg9: memref<8192xf32, #tpu.memory_space<vmem>>, %arg10: memref<!tpu.dma_semaphore, #tpu.memory_space<semaphore_mem>>, %arg11: memref<!tpu.dma_semaphore, #tpu.memory_space<semaphore_mem>>, %arg12: memref<!tpu.dma_semaphore, #tpu.memory_space<semaphore_mem>>, %arg13: memref<!tpu.dma_semaphore, #tpu.memory_space<semaphore_mem>>, %arg14: memref<!tpu.dma_semaphore, #tpu.memory_space<semaphore_mem>>) attributes {dimension_semantics = [#tpu.dimension_semantics<core_parallel>, #tpu.dimension_semantics<subcore_parallel>], iteration_bounds = array<i64: 2, 16>, scalar_prefetch = 0 : i64, scratch_operands = 10 : i64, tpu.core_type = #tpu.core_type<sc_vector_subcore>, window_params = [{transform_indices = #map}, {transform_indices = #map}, {transform_indices = #map}]} {
    %mul3A = arith.constant 2 : i32
    %mul3A_0 = arith.muli %arg1, %mul3A : i32
    %add3A = arith.addi %mul3A_0, %arg0 : i32
    %mul3A_1 = arith.constant 16384 : i32
    %mul3A_2 = arith.muli %add3A, %mul3A_1 : i32
    %add3A_3 = arith.constant 0 : i32
    %add3A_4 = arith.addi %mul3A_2, %add3A_3 : i32
    %dma_start3A = tpu.memref_slice %arg2[%add3A_4] : memref<524288xf32, #tpu.memory_space<hbm>> -> memref<8192xf32, #tpu.memory_space<hbm>>
    %dma_start3A_5 = tpu.memref_slice %arg2[%add3A_4] : memref<524288xf32, #tpu.memory_space<hbm>> -> memref<8192xf32, #tpu.memory_space<hbm>>
    tpu.enqueue_dma source(%dma_start3A_5 : memref<8192xf32, #tpu.memory_space<hbm>>) target(%arg6 : memref<8192xf32, #tpu.memory_space<vmem>>) target_semaphore(%arg10 : memref<!tpu.dma_semaphore, #tpu.memory_space<semaphore_mem>>)
    tpu.enqueue_dma source(%arg3 : memref<256xf32, #tpu.memory_space<hbm>>) target(%arg5 : memref<256xf32, #tpu.memory_space<vmem>>) target_semaphore(%arg14 : memref<!tpu.dma_semaphore, #tpu.memory_space<semaphore_mem>>)
    %add3A_6 = arith.constant 8192 : i32
    %add3A_7 = arith.addi %mul3A_2, %add3A_6 : i32
    %dma_start3A_8 = tpu.memref_slice %arg2[%add3A_7] : memref<524288xf32, #tpu.memory_space<hbm>> -> memref<8192xf32, #tpu.memory_space<hbm>>
    %dma_start3A_9 = tpu.memref_slice %arg2[%add3A_7] : memref<524288xf32, #tpu.memory_space<hbm>> -> memref<8192xf32, #tpu.memory_space<hbm>>
    tpu.enqueue_dma source(%dma_start3A_9 : memref<8192xf32, #tpu.memory_space<hbm>>) target(%arg7 : memref<8192xf32, #tpu.memory_space<vmem>>) target_semaphore(%arg11 : memref<!tpu.dma_semaphore, #tpu.memory_space<semaphore_mem>>)
    tpu.wait_dma2 semaphore(%arg14 : memref<!tpu.dma_semaphore, #tpu.memory_space<semaphore_mem>>) src(%arg3 : memref<256xf32, #tpu.memory_space<hbm>>) dst(%arg5 : memref<256xf32, #tpu.memory_space<vmem>>)
    %dma_wait3A = tpu.memref_slice %arg2[%add3A_4] : memref<524288xf32, #tpu.memory_space<hbm>> -> memref<8192xf32, #tpu.memory_space<hbm>>
    %dma_wait3A_10 = tpu.memref_slice %arg2[%add3A_4] : memref<524288xf32, #tpu.memory_space<hbm>> -> memref<8192xf32, #tpu.memory_space<hbm>>
    tpu.wait_dma2 semaphore(%arg10 : memref<!tpu.dma_semaphore, #tpu.memory_space<semaphore_mem>>) src(%dma_wait3A_10 : memref<8192xf32, #tpu.memory_space<hbm>>) dst(%arg6 : memref<8192xf32, #tpu.memory_space<vmem>>)
    %parallel_loop3A = arith.constant 0 : i32
    %parallel_loop3A_11 = arith.constant 512 : i32
    %parallel_loop3A_12 = arith.constant 1 : i32
    scf.for %parallel_loop3A_30 = %parallel_loop3A to %parallel_loop3A_11 step %parallel_loop3A_12  : i32 {
      %parallel_loop3A_31 = arith.constant 16 : i32
      %parallel_loop3A_32 = arith.muli %parallel_loop3A_30, %parallel_loop3A_31 : i32
      %parallel_loop3A_33 = arith.index_cast %parallel_loop3A_32 : i32 to index
      %parallel_loop3A_34 = tpu.vector_load %arg6[%parallel_loop3A_33] {strides = array<i32>} : memref<8192xf32, #tpu.memory_space<vmem>>, vector<16xf32>,
      %parallel_loop3A_35 = arith.constant 1.275000e+02 : f32
      %parallel_loop3A_36 = vector.broadcast %parallel_loop3A_35 : f32 to vector<16xf32>
      %parallel_loop3A_37 = arith.mulf %parallel_loop3A_34, %parallel_loop3A_36 : vector<16xf32>
      %parallel_loop3A_38 = arith.constant 1.280000e+02 : f32
      %parallel_loop3A_39 = vector.broadcast %parallel_loop3A_38 : f32 to vector<16xf32>
      %parallel_loop3A_40 = arith.addf %parallel_loop3A_37, %parallel_loop3A_39 : vector<16xf32>
      %parallel_loop3A_41 = arith.constant 0.000000e+00 : f32
      %parallel_loop3A_42 = vector.broadcast %parallel_loop3A_41 : f32 to vector<16xf32>
      %parallel_loop3A_43 = arith.maximumf %parallel_loop3A_40, %parallel_loop3A_42 : vector<16xf32>
      %parallel_loop3A_44 = arith.constant 2.555000e+02 : f32
      %parallel_loop3A_45 = vector.broadcast %parallel_loop3A_44 : f32 to vector<16xf32>
      %parallel_loop3A_46 = arith.minimumf %parallel_loop3A_43, %parallel_loop3A_45 : vector<16xf32>
      %parallel_loop3A_47 = arith.fptosi %parallel_loop3A_46 : vector<16xf32> to vector<16xi32>
      %parallel_loop3A_48 = tpu.vector_load_idx %arg5[%parallel_loop3A_47] : memref<256xf32, #tpu.memory_space<vmem>>[vector<16xi32>], vector<16xf32>,
      %parallel_loop3A_49 = arith.constant 16 : i32
      %parallel_loop3A_50 = arith.muli %parallel_loop3A_30, %parallel_loop3A_49 : i32
      %parallel_loop3A_51 = arith.index_cast %parallel_loop3A_50 : i32 to index
      %parallel_loop3A_52 = tpu.vector_load %arg8[%parallel_loop3A_51] {strides = array<i32>} : memref<8192xf32, #tpu.memory_space<vmem>>, vector<16xf32>,
      tpu.vector_store %arg8[%parallel_loop3A_51], %parallel_loop3A_48 {strides = array<i32>} : memref<8192xf32, #tpu.memory_space<vmem>>, vector<16xf32>,
    } {sc.loop_unroll_factor = 8 : i64, sc.parallel_access}
    %add3A_13 = arith.constant 0 : i32
    %add3A_14 = arith.addi %mul3A_2, %add3A_13 : i32
    %dma_start3A_15 = tpu.memref_slice %arg4[%add3A_14] : memref<524288xf32, #tpu.memory_space<hbm>> -> memref<8192xf32, #tpu.memory_space<hbm>>
    %dma_start3A_16 = tpu.memref_slice %arg4[%add3A_14] : memref<524288xf32, #tpu.memory_space<hbm>> -> memref<8192xf32, #tpu.memory_space<hbm>>
    tpu.enqueue_dma source(%arg8 : memref<8192xf32, #tpu.memory_space<vmem>>) target(%dma_start3A_16 : memref<8192xf32, #tpu.memory_space<hbm>>) target_semaphore(%arg12 : memref<!tpu.dma_semaphore, #tpu.memory_space<semaphore_mem>>)
    %dma_wait3A_17 = tpu.memref_slice %arg2[%add3A_7] : memref<524288xf32, #tpu.memory_space<hbm>> -> memref<8192xf32, #tpu.memory_space<hbm>>
    %dma_wait3A_18 = tpu.memref_slice %arg2[%add3A_7] : memref<524288xf32, #tpu.memory_space<hbm>> -> memref<8192xf32, #tpu.memory_space<hbm>>
    tpu.wait_dma2 semaphore(%arg11 : memref<!tpu.dma_semaphore, #tpu.memory_space<semaphore_mem>>) src(%dma_wait3A_18 : memref<8192xf32, #tpu.memory_space<hbm>>) dst(%arg7 : memref<8192xf32, #tpu.memory_space<vmem>>)
    %parallel_loop3A_19 = arith.constant 0 : i32
    %parallel_loop3A_20 = arith.constant 512 : i32
    %parallel_loop3A_21 = arith.constant 1 : i32
    scf.for %parallel_loop3A_30 = %parallel_loop3A_19 to %parallel_loop3A_20 step %parallel_loop3A_21  : i32 {
      %parallel_loop3A_31 = arith.constant 16 : i32
      %parallel_loop3A_32 = arith.muli %parallel_loop3A_30, %parallel_loop3A_31 : i32
      %parallel_loop3A_33 = arith.index_cast %parallel_loop3A_32 : i32 to index
      %parallel_loop3A_34 = tpu.vector_load %arg7[%parallel_loop3A_33] {strides = array<i32>} : memref<8192xf32, #tpu.memory_space<vmem>>, vector<16xf32>,
      %parallel_loop3A_35 = arith.constant 1.275000e+02 : f32
      %parallel_loop3A_36 = vector.broadcast %parallel_loop3A_35 : f32 to vector<16xf32>
      %parallel_loop3A_37 = arith.mulf %parallel_loop3A_34, %parallel_loop3A_36 : vector<16xf32>
      %parallel_loop3A_38 = arith.constant 1.280000e+02 : f32
      %parallel_loop3A_39 = vector.broadcast %parallel_loop3A_38 : f32 to vector<16xf32>
      %parallel_loop3A_40 = arith.addf %parallel_loop3A_37, %parallel_loop3A_39 : vector<16xf32>
      %parallel_loop3A_41 = arith.constant 0.000000e+00 : f32
      %parallel_loop3A_42 = vector.broadcast %parallel_loop3A_41 : f32 to vector<16xf32>
      %parallel_loop3A_43 = arith.maximumf %parallel_loop3A_40, %parallel_loop3A_42 : vector<16xf32>
      %parallel_loop3A_44 = arith.constant 2.555000e+02 : f32
      %parallel_loop3A_45 = vector.broadcast %parallel_loop3A_44 : f32 to vector<16xf32>
      %parallel_loop3A_46 = arith.minimumf %parallel_loop3A_43, %parallel_loop3A_45 : vector<16xf32>
      %parallel_loop3A_47 = arith.fptosi %parallel_loop3A_46 : vector<16xf32> to vector<16xi32>
      %parallel_loop3A_48 = tpu.vector_load_idx %arg5[%parallel_loop3A_47] : memref<256xf32, #tpu.memory_space<vmem>>[vector<16xi32>], vector<16xf32>,
      %parallel_loop3A_49 = arith.constant 16 : i32
      %parallel_loop3A_50 = arith.muli %parallel_loop3A_30, %parallel_loop3A_49 : i32
      %parallel_loop3A_51 = arith.index_cast %parallel_loop3A_50 : i32 to index
      %parallel_loop3A_52 = tpu.vector_load %arg9[%parallel_loop3A_51] {strides = array<i32>} : memref<8192xf32, #tpu.memory_space<vmem>>, vector<16xf32>,
      tpu.vector_store %arg9[%parallel_loop3A_51], %parallel_loop3A_48 {strides = array<i32>} : memref<8192xf32, #tpu.memory_space<vmem>>, vector<16xf32>,
    } {sc.loop_unroll_factor = 8 : i64, sc.parallel_access}
    %add3A_22 = arith.constant 8192 : i32
    %add3A_23 = arith.addi %mul3A_2, %add3A_22 : i32
    %dma_start3A_24 = tpu.memref_slice %arg4[%add3A_23] : memref<524288xf32, #tpu.memory_space<hbm>> -> memref<8192xf32, #tpu.memory_space<hbm>>
    %dma_start3A_25 = tpu.memref_slice %arg4[%add3A_23] : memref<524288xf32, #tpu.memory_space<hbm>> -> memref<8192xf32, #tpu.memory_space<hbm>>
    tpu.enqueue_dma source(%arg9 : memref<8192xf32, #tpu.memory_space<vmem>>) target(%dma_start3A_25 : memref<8192xf32, #tpu.memory_space<hbm>>) target_semaphore(%arg13 : memref<!tpu.dma_semaphore, #tpu.memory_space<semaphore_mem>>)
    %dma_wait3A_26 = tpu.memref_slice %arg4[%add3A_14] : memref<524288xf32, #tpu.memory_space<hbm>> -> memref<8192xf32, #tpu.memory_space<hbm>>
    %dma_wait3A_27 = tpu.memref_slice %arg4[%add3A_14] : memref<524288xf32, #tpu.memory_space<hbm>> -> memref<8192xf32, #tpu.memory_space<hbm>>
    tpu.wait_dma2 semaphore(%arg12 : memref<!tpu.dma_semaphore, #tpu.memory_space<semaphore_mem>>) src(%arg8 : memref<8192xf32, #tpu.memory_space<vmem>>) dst(%dma_wait3A_27 : memref<8192xf32, #tpu.memory_space<hbm>>)
    %dma_wait3A_28 = tpu.memref_slice %arg4[%add3A_23] : memref<524288xf32, #tpu.memory_space<hbm>> -> memref<8192xf32, #tpu.memory_space<hbm>>
    %dma_wait3A_29 = tpu.memref_slice %arg4[%add3A_23] : memref<524288xf32, #tpu.memory_space<hbm>> -> memref<8192xf32, #tpu.memory_space<hbm>>
    tpu.wait_dma2 semaphore(%arg13 : memref<!tpu.dma_semaphore, #tpu.memory_space<semaphore_mem>>) src(%arg9 : memref<8192xf32, #tpu.memory_space<vmem>>) dst(%dma_wait3A_29 : memref<8192xf32, #tpu.memory_space<hbm>>)
    return
  }
}

</mosaic_0001>

<sc_bundles>
// kernel: kernel.3.cloned.1.call-start
scs
__scs_entry_jumppad:
0x0: {  	(pc) =	sbr.rel $0x88, $3  }
0x1: {  	(tag) =	ssettag $0x0;
	lr =	simm.s32 $0x1  }
0x2: {  	[smem:$0x3F9F] =	sst lr;
	_ =	strace $0xD0000000  }
0x3: {  	_ = 	snop  }
0x4: {  	_ = 	snop  }
0x5: {  	_ = 	snop  }
0x6: {  	_ = 	snop  }
0x7: {  	_ = 	snop  }
__scs_overlays_trampoline_lowered:
0x8: {  	[smem:$0x3FAE] =	sst s0  }
0x9: {  	[smem:$0x3FAF] =	sst s1  }
0xa: {  	[smem:$0x3FB0] =	sst s2  }
0xb: {  	[smem:$0x3FB1] =	sst s3  }
0xc: {  	[smem:$0x3FB2] =	sst s4  }
0xd: {  	[smem:$0x3FB3] =	sst s5  }
0xe: {  	[smem:$0x3FB4] =	sst s6  }
0xf: {  	[smem:$0x3FB5] =	sst s7  }
0x10: {  	[smem:$0x3FB6] =	sst s8  }
0x11: {  	[smem:$0x3FB7] =	sst s9;
	s0 =	simm.s32 @!p0 $0x0  }
0x12: {  	s1 =	sld [smem:$0x3F9D];
	s0 =	simm.s32 @p0 $0x1  }
0x13: {  	[smem:$0x3FB8] =	sst s0;
	s0 =	simm.s32 @!p1 $0x0  }
0x14: {  	s2 =	sld [smem:$0x3F9C];
	s0 =	simm.s32 @p1 $0x1  }
0x15: {  	[smem:$0x3FB9] =	sst s0;
	s0 =	simm.s32 @!p2 $0x0  }
0x16: {  	s3 =	sld [smem:$0x3FDB];
	s0 =	simm.s32 @p2 $0x1  }
0x17: {  	s4 =	simm.s32 $0x1BF5;
	[smem:$0x3FBB] =	sst s0  }
0x18: {  	s0 =	sld [smem:$0x3F9E];
	_ =	swait.ge [sflag:s4], $0x0  }
0x19: {  	s7 =	sld [smem:$0x3F9F]  }
0x1a: {  	s8 =	sadd.s32 $0xFFFFE003, lr  }
0x1b: {  	s9 =	sadd.s32 $0xFFFFFEF7, lr;
	s5 =	simm.s32 $0xFFFFFFFF;
	p2 =	slt.u32 s8, $0xFFFFF086  }
0x1c: {  	p1 =	slt.u32 s9, $0xF7A;
	s5 =	simm.s32 @!p2 $0x0  }
0x1d: {  	s5 =	simm.s32 @p1 $0x1;
	p0 =	seq.s32 s7, s2  }
0x1e: {  	s7 =	smul.u32 @!p0 $0xF7A, s2;
	p2 =	seq.s32 @!p0 s5, $0x0  }
0x1f: {  	s9 =	smul.u32 $0xF7A, s1;
	s8 =	simm.s32 @!p0 $0x1BF5;
	p2 =	por !p2, p0  }
0x20: {  	[sflag:s8] =	ssyncset.s32 @!p0 $0xFFFFF086;
	s6 =	sadd.s32 @!p0 s3, s7;
	s7 =	simm.s32 @!p0 $0x108  }
0x21: {  	s3 =	sadd.s32 s3, s9;
	s6 =	sadd.s32 @!p0 $0x88, s6;
	s7 =	simm.s32 @p2 $0x1082  }
0x22: {  	[simem:s7], [sflag:s8] =	dma.local @!p0 [hbm:s6], $0xF7A  }
0x23: {  	s9 =	sor.u32 $0xD0000000, s2;
	s6 =	simm.s32 $0x108;
	_ =	swait.ge @!p0 [sflag:s8], $0x0  }
0x24: {  	s3 =	sadd.s32 $0x88, s3;
	s6 =	simm.s32 @!p1 $0x1082;
	[sflag:s4] =	ssyncset.s32 $0xFFFFF086  }
0x25: {  	[simem:s6], [sflag:s4] =	dma.local [hbm:s3], $0xF7A  }
0x26: {  	[smem:$0x3F9F] =	sst s1;
	(tag) =	ssettag s2;
	_ =	strace s9  }
0x27: {  	s1 =	sld [smem:$0x3FAF]  }
0x28: {  	s2 =	sld [smem:$0x3FB0]  }
0x29: {  	s4 =	sld [smem:$0x3FB2]  }
0x2a: {  	p0 =	seq.s32 s5, $0x0;
	s5 =	sld [smem:$0x3FB3]  }
0x2b: {  	s6 =	sld [smem:$0x3FB4]  }
0x2c: {  	s7 =	sld [smem:$0x3FB5]  }
0x2d: {  	s3 =	simm.s32 $0x108;
	s8 =	sld [smem:$0x3FB6]  }
0x2e: {  	s3 =	simm.s32 @!p0 $0x1082;
	s9 =	sld [smem:$0x3FB7]  }
0x2f: {  	lr =	sadd.s32 s0, s3;
	s0 =	sld [smem:$0x3FAE]  }
0x30: {  	s3 =	sld [smem:$0x3FB1]  }
0x31: {  	[smem:$0x3FBA] =	sst s10  }
0x32: {  	s10 =	sld [smem:$0x3FB8];
	_ =	sdelay $0x3  }
0x33: {  	p0 =	seq.s32 s10, $0x1;
	s10 =	sld [smem:$0x3FBA];
	_ =	sdelay $0x3  }
0x34: {  	[smem:$0x3FBA] =	sst s10  }
0x35: {  	s10 =	sld [smem:$0x3FB9];
	_ =	sdelay $0x3  }
0x36: {  	p1 =	seq.s32 s10, $0x1;
	s10 =	sld [smem:$0x3FBA];
	_ =	sdelay $0x3  }
0x37: {  	[smem:$0x3FBA] =	sst s10  }
0x38: {  	s10 =	sld [smem:$0x3FBB]  }
0x39: {  	_ = 	snop;
	(pc) =	sbr.ind lr, $3  }
0x3a: {  	_ = 	snop  }
0x3b: {  	_ = 	snop  }
0x3c: {  	p2 =	seq.s32 s10, $0x1;
	s10 =	sld [smem:$0x3FBA]  }
0x3d: {  	_ =	shalt  }
0x3e: {  	_ =	shalt  }
0x3f: {  	_ =	shalt  }
0x40: {  	_ =	shalt  }
0x41: {  	_ =	shalt  }
0x42: {  	_ =	shalt  }
0x43: {  	_ =	shalt  }
0x44: {  	_ =	shalt  }
0x45: {  	_ =	shalt  }
0x46: {  	_ =	shalt  }
0x47: {  	_ =	shalt  }
0x48: {  	_ =	shalt  }
0x49: {  	_ =	shalt  }
0x4a: {  	_ =	shalt  }
0x4b: {  	_ =	shalt  }
0x4c: {  	_ =	shalt  }
0x4d: {  	_ =	shalt  }
0x4e: {  	_ =	shalt  }
0x4f: {  	_ =	shalt  }
0x50: {  	_ =	shalt  }
0x51: {  	_ =	shalt  }
0x52: {  	_ =	shalt  }
0x53: {  	_ =	shalt  }
0x54: {  	_ =	shalt  }
0x55: {  	_ =	shalt  }
0x56: {  	_ =	shalt  }
0x57: {  	_ =	shalt  }
0x58: {  	_ =	shalt  }
0x59: {  	_ =	shalt  }
0x5a: {  	_ =	shalt  }
0x5b: {  	_ =	shalt  }
0x5c: {  	_ =	shalt  }
0x5d: {  	_ =	shalt  }
0x5e: {  	_ =	shalt  }
0x5f: {  	_ =	shalt  }
0x60: {  	_ =	shalt  }
0x61: {  	_ =	shalt  }
0x62: {  	_ =	shalt  }
0x63: {  	_ =	shalt  }
0x64: {  	_ =	shalt  }
0x65: {  	_ =	shalt  }
0x66: {  	_ =	shalt  }
0x67: {  	_ =	shalt  }
0x68: {  	_ =	shalt  }
0x69: {  	_ =	shalt  }
0x6a: {  	_ =	shalt  }
0x6b: {  	_ =	shalt  }
0x6c: {  	_ =	shalt  }
0x6d: {  	_ =	shalt  }
0x6e: {  	_ =	shalt  }
0x6f: {  	_ =	shalt  }
0x70: {  	_ =	shalt  }
0x71: {  	_ =	shalt  }
0x72: {  	_ =	shalt  }
0x73: {  	_ =	shalt  }
0x74: {  	_ =	shalt  }
0x75: {  	_ =	shalt  }
0x76: {  	_ =	shalt  }
0x77: {  	_ =	shalt  }
0x78: {  	_ =	shalt  }
0x79: {  	_ =	shalt  }
0x7a: {  	_ =	shalt  }
0x7b: {  	_ =	shalt  }
0x7c: {  	_ =	shalt  }
0x7d: {  	_ =	shalt  }
0x7e: {  	_ =	shalt  }
0x7f: {  	_ =	shalt  }
0x80: {  	_ =	shalt  }
0x81: {  	_ =	shalt  }
0x82: {  	_ =	shalt  }
0x83: {  	_ =	shalt  }
0x84: {  	_ =	shalt  }
0x85: {  	_ =	shalt  }
0x86: {  	_ =	shalt  }
0x87: {  	_ =	shalt  }
.Lfunc_end0:
.L_simem_size_0:
called_computation_lowered:
.L_overlay_start_0:
0x88: {  	s2 =	sld [smem:$0x3FD9]  }
0x89: {  	s3 =	sld [smem:$0x3FFE];
	_ =	sdelay $0x1  }
0x8a: {  	s1 =	srdreg.scid  }
0x8b: {  	s0 =	sand.u32 $0x1, s1  }
0x8c: {  	s18 =	sshll.u32 s0, $0xA;
	s2 =	sadd.s32 s3, s2  }
0x8d: {  	s2 =	sadd.s32 s2, s18  }
0x8e: {  	[smem:$0x3FC6] =	sst s2  }
0x8f: {  	_ = 	snop  }
0x90: {  	s2 =	sld [smem:$0x3FC9]  }
0x91: {  	s19 =	sld [smem:$0x3FC8]  }
0x92: {  	s4 =	sld [smem:$0x3FD0];
	(tm) =	ssettm $0x1  }
0x93: {  	s5 =	sld [smem:$0x3FFB];
	_ =	sdelay $0x3  }
0x94: {  	_ =	strace s5  }
0x95: {  	s5 =	sld [smem:$0x3FFC];
	_ =	sdelay $0x3  }
0x96: {  	_ =	strace s5  }
0x97: {  	s5 =	sld [smem:$0x3FFD];
	_ =	sdelay $0x3  }
0x98: {  	_ =	strace s5  }
0x99: {  	_ =	strace $0x8FFFFFFF  }
0x9a: {  	s20 =	sld [smem:$0x3FDB];
	_ =	sdelay $0x1  }
0x9b: {  	s6 =	simm.s32 $_scs_section_size  }
0x9c: {  	s7 =	simm.s32 $_size__tile_overlayer_lowered;
	s8 =	simm.s32 $_tile_overlayer_lowered  }
0x9d: {  	s23 =	simm.s32 $0x1BFF;
	s22 =	sshll.u32 s8, $0x1;
	s5 =	sadd.s32 s6, s20  }
0x9e: {  	s9 =	simm.s32 $0x0;
	s21 =	sshll.u32 s7, $0x1;
	s7 =	sadd.s32 s22, s5  }
0x9f: {  	[timem:s9], [sflag:s23] =	dma.local [hbm:s7], s21  }
0xa0: {  	_ =	swait.ge [sflag:s23], s21  }
0xa1: {  	s6 =	ssub.s32 $0x0, s21;
	[sflag:s23] =	ssyncset.done $0x0  }
0xa2: {  	[sflag:s23] =	ssyncadd.s32 s6;
	_ =	sdelay $0x1  }
0xa3: {  	s24 =	simm.s32 $0x1B8B  }
0xa4: {  	_ =	swait.ge [sflag:s24], $0x1  }
0xa5: {  	[sflag:s24] =	ssyncset.done $0x0  }
0xa6: {  	s25 =	simm.s32 $0x1B8E;
	[sflag:s24] =	ssyncadd.s32 $0xFFFFFFFF  }
0xa7: {  	s26 =	simm.s32 $execute0_lowered;
	[smem:$0x3FD2] =	sst s25  }
0xa8: {  	s6 =	sshll.u32 s26, $0x1;
	_ =	strace $0x80000046;
	[dreg:$0x1] =	wrdreg $0xFFFFFFFF  }
0xa9: {  	s28 =	simm.s32 $_size_execute0_lowered;
	s5 =	sadd.s32 s5, s6;
	[dreg:$0x0] =	wrdreg $0x0  }
0xaa: {  	s6 =	sshll.u32 s28, $0x1;
	[dreg:$0x2] =	wrdreg s5  }
0xab: {  	[dreg:$0x3] =	wrdreg s6  }
0xac: {  	[dreg:$0x4] =	wrdreg $0xC0  }
0xad: {  	_ =	task [dreg:s9], $0x5FFFF  }
0xae: {  	[dreg:$0x1] =	wrdreg $0xFFFFFFFF  }
0xaf: {  	[dreg:$0x0] =	wrdreg $0x60  }
0xb0: {  	[dreg:$0x2] =	wrdreg s2  }
0xb1: {  	[dreg:$0x3] =	wrdreg s19  }
0xb2: {  	[dreg:$0x4] =	wrdreg s4  }
0xb3: {  	[dreg:$0x5] =	wrdreg $0x9  }
0xb4: {  	_ =	task.clear_ibuf [dreg:s9], $0x6FFFF;
	_ =	strace $0x90000046  }
0xb5: {  	s29 =	simm.s32 $0x9;
	_ =	strace $0x80000048  }
0xb6: {  	_ =	swait.ge [sflag:s29], $0x1  }
0xb7: {  	[sflag:s29] =	ssyncadd.s32 $0xFFFFFFFF  }
0xb8: {  	_ =	strace $0x90000048  }
0xb9: {  	_ =	sfence  }
0xba: {  	s30 =	sld [smem:$0x0];
	_ =	sdelay $0x2  }
0xbb: {  	s31 =	sshll.u32 s1, $0xD;
	s1 =	sshrl.u32 s1, $0x2  }
0xbc: {  	s3 =	sand.u32 $0x4000, s31;
	s1 =	sadd.s32 s1, s30  }
0xbd: {  	s0 =	sor.u32 s3, s0;
	s1 =	sshll.u32 s1, $0x11  }
0xbe: {  	s0 =	sor.u32 s1, s0  }
0xbf: {  	s0 =	sadd.s32 $0x8F2B, s0  }
0xc0: {  	[sflag:s0] =	ssyncadd.remote.s32 $0x1  }
0xc1: {  	_ =	sfence.sel $0xFFFF  }
0xc2: {  	[dreg:$0x0] =	wrdreg $0xFFFFFFFF;
	(pc) =	sbr.abs _section_cstart, $3  }
0xc3: {  	[dreg:$0x1] =	wrdreg $0xFFFFFFFF  }
0xc4: {  	_ =	task.clear_ibuf [dreg:s9], $0x2FFFF;
	_ =	strace $0x9FFFFFFF  }
0xc5: {  	(tm) =	ssettm $0x7FFFFFFF  }
tec
execute0_lowered:
.L_overlay_start_1:
0x0: {  	(tag) =	ssettag $0x1  }
0x1: {  	s5 =	rddreg [dreg:$0x0]  }
0x2: {  	s1 =	rddreg [dreg:$0x1]  }
0x3: {  	s7 =	rddreg [dreg:$0x2]  }
0x4: {  	s0 =	rddreg [dreg:$0x3];
	s4 =	srdreg.scid  }
0x5: {  	s3 =	simm.s32 $0x0;
	s2 =	stileid.u32;
	s11 =	simm.s32 $0x5  }
0x6: {  	s12 =	simm.s32 $0x1;
	s13 =	simm.s32 $0x4100;
	s14 =	simm.s32 $0x2  }
0x7: {  	s15 =	simm.s32 $0x6100;
	s16 =	simm.s32 $0x3;
	s17 =	simm.s32 $0x4  }
0x8: {  	s18 =	simm.s32 $0x0;
	s4 =	sand.u32 $0x1, s4;
	s8 =	sshll.u32 s2, $0xC  }
0x9: {  	[smem:$0x7FF] =	sst s3;
	s6 =	ssub.s32 $0x2, s4;
	s4 =	sshll.u32 s4, $0xB  }
0xa: {  	_ =	strace $0x80000047;
	s9 =	sshrl.u32 s6, $0x1;
	s8 =	sor.u32 s4, s8  }
0xb: {  	s9 =	ssub.s32 s6, s9;
	s10 =	sor.u32 $0x400, s8;
	s4 =	sadd.s32 s5, s8  }
0xc: {  	s6 =	sadd.s32 s7, s8;
	s5 =	sadd.s32 s5, s10;
	s7 =	sadd.s32 s7, s10  }
0xd: {  	s8 =	smax.u32 s9, $0x1;
	s9 =	simm.s32 $0x100;
	s10 =	simm.s32 $0x2100  }
.LBB2_1:
0xe: {  	[tilespmem:s9], [sflag:$0x1] =	stream.linear.gather [hbm4b:s4+s3], $0x2000, $0x38;
	[tilespmem:$0x8100] =	vst v63  }
0xf: {  	_ = 	snop  }
0x10: {  	[tilespmem:s3], [sflag:$0x5] =	stream.linear.gather [hbm4b:s1+s3], $0x100, $0x38;
	[tilespmem:$0x8100] =	vst v63  }
0x11: {  	_ = 	snop  }
0x12: {  	[tilespmem:s10], [sflag:$0x2] =	stream.linear.gather [hbm4b:s5+s3], $0x2000, $0x38;
	[tilespmem:$0x8100] =	vst v63  }
0x13: {  	_ =	swait.ge [sflag:s11], $0x100  }
0x14: {  	[sflag:s11] =	ssyncset.done $0x0  }
0x15: {  	[sflag:s11] =	ssyncadd.s32 $0xFFFFFF00  }
0x16: {  	_ =	swait.ge [sflag:s12], $0x2000  }
0x17: {  	[sflag:s12] =	ssyncset.done $0x0  }
0x18: {  	s19 =	simm.s32 $0x140;
	[sflag:s12] =	ssyncadd.s32 $0xFFFFE000  }
0x19: {  	v0 =	vld [tilespmem:s19+$0xFFFFFFE0]  }
0x1a: {  	v1 =	vld [tilespmem:s19+$0xFFFFFFF0]  }
0x1b: {  	v2 =	vld [tilespmem:s19+$0x20]  }
0x1c: {  	v3 =	vld [tilespmem:s19+$0xFFFFFFD0]  }
0x1d: {  	v4 =	vld [tilespmem:s19+$0x0]  }
0x1e: {  	v5 =	vld [tilespmem:s19+$0x30]  }
0x1f: {  	v6 =	vld [tilespmem:s19+$0x10]  }
0x20: {  	s20 =	simm.s32 $0x1C0;
	v7 =	vld [tilespmem:s19+$0xFFFFFFC0]  }
0x21: {  	v8 =	vld [tilespmem:s20+$0x0]  }
0x22: {  	v9 =	vld [tilespmem:s20+$0xFFFFFFF0]  }
0x23: {  	v10 =	vld [tilespmem:s20+$0x20];
	v0 =	vmul.f32 $1.275000000e+02, v0;
	v1 =	vmul.f32 $1.275000000e+02, v1  }
0x24: {  	v12 =	vld [tilespmem:s20+$0x30];
	v2 =	vmul.f32 $1.275000000e+02, v2;
	v4 =	vmul.f32 $1.275000000e+02, v4  }
0x25: {  	v13 =	vld [tilespmem:s20+$0xFFFFFFD0];
	s19 =	simm.s32 $0x240;
	v5 =	vmul.f32 $1.275000000e+02, v5;
	v3 =	vmul.f32 $1.275000000e+02, v3  }
0x26: {  	v16 =	vld [tilespmem:s19+$0xFFFFFFE0];
	v7 =	vmul.f32 $1.275000000e+02, v7;
	v6 =	vmul.f32 $1.275000000e+02, v6  }
0x27: {  	v8 =	vmul.f32 $1.275000000e+02, v8;
	v9 =	vmul.f32 $1.275000000e+02, v9  }
0x28: {  	v10 =	vmul.f32 $1.275000000e+02, v10;
	v0 =	vadd.f32 $1.280000000e+02, v0;
	v1 =	vadd.f32 $1.280000000e+02, v1  }
0x29: {  	v12 =	vmul.f32 $1.275000000e+02, v12;
	v2 =	vadd.f32 $1.280000000e+02, v2;
	v4 =	vadd.f32 $1.280000000e+02, v4  }
0x2a: {  	v13 =	vmul.f32 $1.275000000e+02, v13;
	v5 =	vadd.f32 $1.280000000e+02, v5;
	v3 =	vadd.f32 $1.280000000e+02, v3  }
0x2b: {  	v16 =	vmul.f32 $1.275000000e+02, v16;
	v7 =	vadd.f32 $1.280000000e+02, v7;
	v6 =	vadd.f32 $1.280000000e+02, v6  }
0x2c: {  	v9 =	vadd.f32 $1.280000000e+02, v9;
	v10 =	vadd.f32 $1.280000000e+02, v10;
	v1 =	vmax.f32 v1, $0.0e+00  }
0x2d: {  	v13 =	vadd.f32 $1.280000000e+02, v13;
	v0 =	vmax.f32 v0, $0.0e+00;
	v1 =	vmin.f32 v1, $2.555000000e+02  }
0x2e: {  	v2 =	vmax.f32 v2, $0.0e+00;
	v3 =	vmax.f32 v3, $0.0e+00;
	v1 =	vtrunc.f32 v1  }
0x2f: {  	v4 =	vmax.f32 v4, $0.0e+00;
	v3 =	vmin.f32 v3, $2.555000000e+02;
	v1 =	vcvt.f32.s32 v1  }
0x30: {  	v11 =	vld [tilespmem:s20+$0xFFFFFFE0];
	v5 =	vmax.f32 v5, $0.0e+00;
	v7 =	vmax.f32 v7, $0.0e+00;
	v3 =	vtrunc.f32 v3  }
0x31: {  	v9 =	vmax.f32 v9, $0.0e+00;
	v0 =	vmin.f32 v0, $2.555000000e+02;
	v3 =	vcvt.f32.s32 v3  }
0x32: {  	v4 =	vmin.f32 v4, $2.555000000e+02;
	v5 =	vmin.f32 v5, $2.555000000e+02;
	v0 =	vtrunc.f32 v0  }
0x33: {  	v17 =	vld [tilespmem:s19+$0xFFFFFFD0];
	v2 =	vmin.f32 v2, $2.555000000e+02;
	v4 =	vtrunc.f32 v4;
	v5 =	vtrunc.f32 v5  }
0x34: {  	v18 =	vld [tilespmem:s19+$0x0];
	v9 =	vmin.f32 v9, $2.555000000e+02;
	v2 =	vtrunc.f32 v2;
	v0 =	vcvt.f32.s32 v0  }
0x35: {  	v6 =	vmax.f32 v6, $0.0e+00;
	v9 =	vtrunc.f32 v9;
	v14 =	vld.idx.msk [tilespmem:v1+s3+$0x0], $0xffff;
	v1 =	vmul.f32 $1.275000000e+02, v11  }
0x36: {  	v20 =	vld [tilespmem:s19+$0xFFFFFFF0];
	v6 =	vmin.f32 v6, $2.555000000e+02;
	v4 =	vcvt.f32.s32 v4;
	v2 =	vcvt.f32.s32 v2  }
0x37: {  	v15 =	vld.idx.msk [tilespmem:v3+s3+$0x0], $0xffff;
	v3 =	vcvt.f32.s32 v5;
	v5 =	vadd.f32 $1.280000000e+02, v8;
	v1 =	vadd.f32 $1.280000000e+02, v1  }
0x38: {  	v22 =	vld [tilespmem:s19+$0x30];
	v7 =	vmin.f32 v7, $2.555000000e+02;
	v6 =	vtrunc.f32 v6;
	v19 =	vcvt.f32.s32 v9  }
0x39: {  	v8 =	vadd.f32 $1.280000000e+02, v12;
	v12 =	vld [tilespmem:s20+$0xFFFFFFC0];
	v5 =	vmax.f32 v5, $0.0e+00;
	v1 =	vmax.f32 v1, $0.0e+00  }
0x3a: {  	v6 =	vcvt.f32.s32 v6;
	v0 =	vld.idx.msk [tilespmem:v0+s3+$0x0], $0xffff;
	v5 =	vmin.f32 v5, $2.555000000e+02;
	v1 =	vmin.f32 v1, $2.555000000e+02  }
0x3b: {  	v9 =	vmax.f32 v13, $0.0e+00;
	v11 =	vld [tilespmem:s20+$0x10];
	v5 =	vtrunc.f32 v5;
	v1 =	vtrunc.f32 v1  }
0x3c: {  	v9 =	vmin.f32 v9, $2.555000000e+02;
	v4 =	vld.idx.msk [tilespmem:v4+s3+$0x0], $0xffff;
	v13 =	vcvt.f32.s32 v1;
	v1 =	vtrunc.f32 v7  }
0x3d: {  	v10 =	vmax.f32 v10, $0.0e+00;
	v2 =	vld.idx.msk [tilespmem:v2+s3+$0x0], $0xffff;
	v21 =	vcvt.f32.s32 v1;
	v1 =	vtrunc.f32 v9  }
0x3e: {  	v10 =	vmin.f32 v10, $2.555000000e+02;
	s20 =	simm.s32 $0x4140;
	v7 =	vld [tilespmem:s19+$0x20];
	v9 =	vmul.f32 $1.275000000e+02, v12;
	v12 =	vcvt.f32.s32 v5  }
0x3f: {  	v16 =	vadd.f32 $1.280000000e+02, v16;
	v10 =	vtrunc.f32 v10;
	[tilespmem:s20+$0xFFFFFFE0] =	vst v0;
	v0 =	vld [tilespmem:s19+$0x10];
	v5 =	vmax.f32 v8, $0.0e+00  }
0x40: {  	v11 =	vmul.f32 $1.275000000e+02, v11;
	[tilespmem:s20+$0xFFFFFFF0] =	vst v14;
	v23 =	vld.idx.msk [tilespmem:v3+s3+$0x0], $0xffff;
	v1 =	vcvt.f32.s32 v1;
	v5 =	vmin.f32 v5, $2.555000000e+02  }
0x41: {  	[tilespmem:s20+$0xFFFFFFD0] =	vst v15;
	v15 =	vmul.f32 $1.275000000e+02, v22;
	v14 =	vadd.f32 $1.280000000e+02, v9;
	v9 =	vtrunc.f32 v5;
	v5 =	vld.idx.msk [tilespmem:v6+s3+$0x0], $0xffff  }
0x42: {  	[tilespmem:s20+$0x0] =	vst v4;
	v3 =	vld.idx.msk [tilespmem:v19+s3+$0x0], $0xffff;
	v8 =	vmul.f32 $1.275000000e+02, v18;
	v18 =	vadd.f32 $1.280000000e+02, v11;
	v6 =	vmul.f32 $1.275000000e+02, v20  }
0x43: {  	[tilespmem:s20+$0x20] =	vst v2;
	v2 =	vcvt.f32.s32 v10;
	v7 =	vmul.f32 $1.275000000e+02, v7;
	v19 =	vmax.f32 v14, $0.0e+00;
	v4 =	vld.idx.msk [tilespmem:v21+s3+$0x0], $0xffff  }
0x44: {  	s23 =	simm.s32 $0x10;
	v18 =	vmax.f32 v18, $0.0e+00;
	v14 =	vadd.f32 $1.280000000e+02, v6;
	v10 =	vmin.f32 v19, $2.555000000e+02;
	v6 =	vld.idx.msk [tilespmem:v12+s3+$0x0], $0xffff  }
0x45: {  	s21 =	simm.s32 $0x41C0;
	s24 =	simm.s32 $0x2C0;
	s22 =	simm.s32 $0x41C0;
	[tilespmem:s20+$0x30] =	vst v23;
	v11 =	vadd.f32 $1.280000000e+02, v7;
	v12 =	vmul.f32 $1.275000000e+02, v17;
	v7 =	vld.idx.msk [tilespmem:v13+s3+$0x0], $0xffff;
	v13 =	vmin.f32 v18, $2.555000000e+02  }
.LBB2_2:
0x46: {  	s23 =	sadd.s32 $0x8, s23;
	v16 =	vmax.f32 v16, $0.0e+00;
	v14 =	vmax.f32 v14, $0.0e+00;
	v1 =	vld.idx.msk [tilespmem:v1+s3+$0x0], $0xffff;
	v9 =	vcvt.f32.s32 v9;
	s21 =	sadd.s32 $0x80, s21;
	[tilespmem:s20+$0x10] =	vst v5  }
0x47: {  	v8 =	vadd.f32 $1.280000000e+02, v8;
	v15 =	vadd.f32 $1.280000000e+02, v15;
	v17 =	vld [tilespmem:s24+$0xFFFFFFE0];
	p0 =	slt.u32 s23, $0x1F8;
	v5 =	vmin.f32 v16, $2.555000000e+02;
	[tilespmem:s22+$0xFFFFFFF0] =	vst v3  }
0x48: {  	v11 =	vmax.f32 v11, $0.0e+00;
	v14 =	vmin.f32 v14, $2.555000000e+02;
	v3 =	vld [tilespmem:s19+$0xFFFFFFC0];
	v5 =	vtrunc.f32 v5;
	[tilespmem:s20+$0xFFFFFFC0] =	vst v4;
	s20 =	smov.u32 s22;
	s22 =	smov.u32 s21;
	s19 =	smov.u32 s24  }
0x49: {  	v13 =	vtrunc.f32 v13;
	v4 =	vadd.f32 $1.280000000e+02, v12;
	v12 =	vtrunc.f32 v14;
	v18 =	vld [tilespmem:s24+$0xFFFFFFD0]  }
0x4a: {  	v8 =	vmax.f32 v8, $0.0e+00;
	v12 =	vcvt.f32.s32 v12;
	v14 =	vld [tilespmem:s24+$0x0];
	[tilespmem:s20+$0x0] =	vst v6;
	v6 =	vcvt.f32.s32 v13  }
0x4b: {  	v19 =	vcvt.f32.s32 v5;
	v5 =	vtrunc.f32 v10;
	v4 =	vmax.f32 v4, $0.0e+00;
	v13 =	vld [tilespmem:s24+$0xFFFFFFF0];
	[tilespmem:s20+$0xFFFFFFE0] =	vst v7  }
0x4c: {  	v8 =	vmin.f32 v8, $2.555000000e+02;
	v10 =	vcvt.f32.s32 v5;
	v4 =	vmin.f32 v4, $2.555000000e+02;
	v7 =	vld [tilespmem:s24+$0x20];
	[tilespmem:s20+$0xFFFFFFD0] =	vst v1  }
0x4d: {  	v11 =	vmin.f32 v11, $2.555000000e+02;
	v1 =	vtrunc.f32 v4;
	v4 =	vtrunc.f32 v8;
	v2 =	vld.idx.msk [tilespmem:v2+s3+$0x0], $0xffff  }
0x4e: {  	v3 =	vmul.f32 $1.275000000e+02, v3;
	v21 =	vcvt.f32.s32 v4;
	v4 =	vmax.f32 v15, $0.0e+00;
	v20 =	vld [tilespmem:s24+$0x30]  }
0x4f: {  	v0 =	vmul.f32 $1.275000000e+02, v0;
	v1 =	vcvt.f32.s32 v1;
	v4 =	vmin.f32 v4, $2.555000000e+02;
	v22 =	vld.idx.msk [tilespmem:v9+s3+$0x0], $0xffff  }
0x50: {  	v8 =	vmul.f32 $1.275000000e+02, v14;
	v14 =	vadd.f32 $1.280000000e+02, v3;
	v9 =	vtrunc.f32 v4;
	v5 =	vld.idx.msk [tilespmem:v6+s3+$0x0], $0xffff  }
.Ltmp0:
0x51: {  	v6 =	vmul.f32 $1.275000000e+02, v13;
	v7 =	vmul.f32 $1.275000000e+02, v7;
	v3 =	vld.idx.msk [tilespmem:v12+s3+$0x0], $0xffff;
	v12 =	vadd.f32 $1.280000000e+02, v0;
	(pc) =	sbr.rel @p0 .LBB2_2-.Ltmp0, $4  }
0x52: {  	v23 =	vtrunc.f32 v11;
	v13 =	vmul.f32 $1.275000000e+02, v17;
	v17 =	vmax.f32 v14, $0.0e+00;
	v4 =	vld.idx.msk [tilespmem:v10+s3+$0x0], $0xffff  }
0x53: {  	v14 =	vadd.f32 $1.280000000e+02, v6;
	v0 =	vld [tilespmem:s24+$0x10];
	v11 =	vadd.f32 $1.280000000e+02, v7;
	v24 =	vmax.f32 v12, $0.0e+00;
	[tilespmem:s20+$0x20] =	vst v2  }
0x54: {  	v16 =	vadd.f32 $1.280000000e+02, v13;
	v15 =	vmul.f32 $1.275000000e+02, v20;
	v2 =	vcvt.f32.s32 v23;
	v6 =	vld.idx.msk [tilespmem:v21+s3+$0x0], $0xffff  }
0x55: {  	v10 =	vmin.f32 v17, $2.555000000e+02;
	v12 =	vmul.f32 $1.275000000e+02, v18;
	s24 =	sadd.s32 $0x80, s24;
	v13 =	vmin.f32 v24, $2.555000000e+02;
	v7 =	vld.idx.msk [tilespmem:v19+s3+$0x0], $0xffff;
	[tilespmem:s20+$0x30] =	vst v22  }
0x56: {  	v16 =	vmax.f32 v16, $0.0e+00;
	v14 =	vmax.f32 v14, $0.0e+00  }
0x57: {  	v9 =	vcvt.f32.s32 v9;
	v8 =	vadd.f32 $1.280000000e+02, v8;
	v15 =	vadd.f32 $1.280000000e+02, v15  }
0x58: {  	v11 =	vmax.f32 v11, $0.0e+00;
	v13 =	vtrunc.f32 v13;
	v10 =	vtrunc.f32 v10  }
0x59: {  	v17 =	vld [tilespmem:s19+$0xFFFFFFC0];
	v16 =	vmin.f32 v16, $2.555000000e+02;
	v14 =	vmin.f32 v14, $2.555000000e+02;
	v12 =	vadd.f32 $1.280000000e+02, v12  }
0x5a: {  	v13 =	vcvt.f32.s32 v13;
	v10 =	vcvt.f32.s32 v10;
	v11 =	vmin.f32 v11, $2.555000000e+02  }
0x5b: {  	v16 =	vtrunc.f32 v16;
	v14 =	vtrunc.f32 v14;
	v8 =	vmax.f32 v8, $0.0e+00  }
0x5c: {  	v0 =	vmul.f32 $1.275000000e+02, v0;
	v14 =	vcvt.f32.s32 v14;
	v12 =	vmax.f32 v12, $0.0e+00  }
0x5d: {  	v16 =	vcvt.f32.s32 v16;
	v8 =	vmin.f32 v8, $2.555000000e+02;
	v12 =	vmin.f32 v12, $2.555000000e+02  }
0x5e: {  	v1 =	vld.idx.msk [tilespmem:v1+s3+$0x0], $0xffff;
	v8 =	vtrunc.f32 v8;
	v0 =	vadd.f32 $1.280000000e+02, v0;
	v17 =	vmul.f32 $1.275000000e+02, v17  }
0x5f: {  	[tilespmem:s20+$0x10] =	vst v5;
	v12 =	vtrunc.f32 v12;
	v5 =	vcvt.f32.s32 v8;
	v8 =	vmax.f32 v15, $0.0e+00  }
0x60: {  	[tilespmem:s22+$0xFFFFFFF0] =	vst v3;
	v2 =	vld.idx.msk [tilespmem:v2+s3+$0x0], $0xffff;
	v3 =	vcvt.f32.s32 v12;
	v8 =	vmin.f32 v8, $2.555000000e+02;
	v12 =	vadd.f32 $1.280000000e+02, v17  }
0x61: {  	[tilespmem:s20+$0xFFFFFFC0] =	vst v4;
	v4 =	vld.idx.msk [tilespmem:v9+s3+$0x0], $0xffff;
	v9 =	vtrunc.f32 v11;
	v0 =	vmax.f32 v0, $0.0e+00;
	v8 =	vtrunc.f32 v8  }
0x62: {  	[tilespmem:s22+$0x0] =	vst v6;
	v6 =	vld.idx.msk [tilespmem:v13+s3+$0x0], $0xffff;
	v9 =	vcvt.f32.s32 v9;
	v0 =	vmin.f32 v0, $2.555000000e+02;
	v11 =	vmax.f32 v12, $0.0e+00  }
0x63: {  	[tilespmem:s22+$0xFFFFFFD0] =	vst v1;
	v1 =	vld.idx.msk [tilespmem:v10+s3+$0x0], $0xffff;
	v8 =	vcvt.f32.s32 v8;
	v0 =	vtrunc.f32 v0;
	v11 =	vmin.f32 v11, $2.555000000e+02  }
0x64: {  	[tilespmem:s22+$0xFFFFFFE0] =	vst v7;
	v7 =	vld.idx.msk [tilespmem:v14+s3+$0x0], $0xffff;
	v0 =	vcvt.f32.s32 v0;
	v10 =	vtrunc.f32 v11  }
0x65: {  	[tilespmem:s22+$0x20] =	vst v2;
	v2 =	vld.idx.msk [tilespmem:v5+s3+$0x0], $0xffff;
	v5 =	vcvt.f32.s32 v10  }
0x66: {  	[tilespmem:s22+$0x30] =	vst v4;
	v10 =	vld.idx.msk [tilespmem:v16+s3+$0x0], $0xffff  }
0x67: {  	v3 =	vld.idx.msk [tilespmem:v3+s3+$0x0], $0xffff;
	[tilespmem:s22+$0x10] =	vst v6  }
0x68: {  	s29 =	sadd.s32 $0x80, s21;
	[tilespmem:s22+$0xFFFFFFC0] =	vst v1;
	v4 =	vld.idx.msk [tilespmem:v9+s3+$0x0], $0xffff  }
0x69: {  	[tilespmem:s29+$0xFFFFFFF0] =	vst v7;
	v1 =	vld.idx.msk [tilespmem:v8+s3+$0x0], $0xffff  }
0x6a: {  	v0 =	vld.idx.msk [tilespmem:v0+s3+$0x0], $0xffff;
	[tilespmem:s29+$0x0] =	vst v2  }
0x6b: {  	[tilespmem:s29+$0xFFFFFFE0] =	vst v10;
	v2 =	vld.idx.msk [tilespmem:v5+s3+$0x0], $0xffff  }
0x6c: {  	[tilespmem:s29+$0xFFFFFFD0] =	vst v3  }
0x6d: {  	[tilespmem:s29+$0x20] =	vst v4  }
0x6e: {  	[tilespmem:s29+$0x30] =	vst v1  }
0x6f: {  	[tilespmem:s29+$0x10] =	vst v0  }
0x70: {  	[tilespmem:s29+$0xFFFFFFC0] =	vst v2  }
0x71: {  	[hbm4b:s6+s3] =	stream.linear.scatter [tilespmem:s13], [sflag:$0x3], $0x2000, $0x38;
	[tilespmem:$0x8100] =	vst v63  }
0x72: {  	_ =	swait.ge [sflag:s14], $0x2000  }
0x73: {  	[sflag:s14] =	ssyncset.done $0x0  }
0x74: {  	s30 =	simm.s32 $0x2140;
	[sflag:s14] =	ssyncadd.s32 $0xFFFFE000  }
0x75: {  	v0 =	vld [tilespmem:s30+$0xFFFFFFE0]  }
0x76: {  	v1 =	vld [tilespmem:s30+$0xFFFFFFF0]  }
0x77: {  	v2 =	vld [tilespmem:s30+$0x20]  }
0x78: {  	v3 =	vld [tilespmem:s30+$0xFFFFFFD0]  }
0x79: {  	v4 =	vld [tilespmem:s30+$0x0]  }
0x7a: {  	v5 =	vld [tilespmem:s30+$0x30]  }
0x7b: {  	v6 =	vld [tilespmem:s30+$0x10]  }
0x7c: {  	s31 =	simm.s32 $0x21C0;
	v7 =	vld [tilespmem:s30+$0xFFFFFFC0]  }
0x7d: {  	v8 =	vld [tilespmem:s31+$0x0]  }
0x7e: {  	v9 =	vld [tilespmem:s31+$0xFFFFFFF0];
	v0 =	vmul.f32 $1.275000000e+02, v0;
	v1 =	vmul.f32 $1.275000000e+02, v1  }
0x7f: {  	v10 =	vld [tilespmem:s31+$0x20];
	v2 =	vmul.f32 $1.275000000e+02, v2;
	v4 =	vmul.f32 $1.275000000e+02, v4  }
0x80: {  	v12 =	vld [tilespmem:s31+$0x30];
	v5 =	vmul.f32 $1.275000000e+02, v5;
	v3 =	vmul.f32 $1.275000000e+02, v3  }
0x81: {  	v13 =	vld [tilespmem:s31+$0xFFFFFFD0];
	v7 =	vmul.f32 $1.275000000e+02, v7;
	v6 =	vmul.f32 $1.275000000e+02, v6  }
0x82: {  	v8 =	vmul.f32 $1.275000000e+02, v8;
	v0 =	vadd.f32 $1.280000000e+02, v0;
	v1 =	vadd.f32 $1.280000000e+02, v1  }
0x83: {  	v9 =	vmul.f32 $1.275000000e+02, v9;
	v2 =	vadd.f32 $1.280000000e+02, v2;
	v4 =	vadd.f32 $1.280000000e+02, v4  }
0x84: {  	v10 =	vmul.f32 $1.275000000e+02, v10;
	v5 =	vadd.f32 $1.280000000e+02, v5;
	v3 =	vadd.f32 $1.280000000e+02, v3  }
0x85: {  	v12 =	vmul.f32 $1.275000000e+02, v12;
	v7 =	vadd.f32 $1.280000000e+02, v7;
	v6 =	vadd.f32 $1.280000000e+02, v6  }
0x86: {  	v13 =	vmul.f32 $1.275000000e+02, v13;
	v9 =	vadd.f32 $1.280000000e+02, v9;
	v10 =	vadd.f32 $1.280000000e+02, v10  }
0x87: {  	v8 =	vadd.f32 $1.280000000e+02, v8;
	v12 =	vadd.f32 $1.280000000e+02, v12;
	v1 =	vmax.f32 v1, $0.0e+00  }
0x88: {  	v13 =	vadd.f32 $1.280000000e+02, v13;
	v0 =	vmax.f32 v0, $0.0e+00;
	v1 =	vmin.f32 v1, $2.555000000e+02  }
0x89: {  	v2 =	vmax.f32 v2, $0.0e+00;
	v3 =	vmax.f32 v3, $0.0e+00;
	v1 =	vtrunc.f32 v1  }
0x8a: {  	v4 =	vmax.f32 v4, $0.0e+00;
	v3 =	vmin.f32 v3, $2.555000000e+02;
	v1 =	vcvt.f32.s32 v1  }
0x8b: {  	v11 =	vld [tilespmem:s31+$0xFFFFFFE0];
	v5 =	vmax.f32 v5, $0.0e+00;
	v7 =	vmax.f32 v7, $0.0e+00;
	v3 =	vtrunc.f32 v3  }
0x8c: {  	v6 =	vmax.f32 v6, $0.0e+00;
	v9 =	vmax.f32 v9, $0.0e+00;
	v3 =	vcvt.f32.s32 v3  }
0x8d: {  	s19 =	simm.s32 $0x2240;
	v16 =	vld [tilespmem:s31+$0xFFFFFFC0];
	v10 =	vmax.f32 v10, $0.0e+00;
	v8 =	vmax.f32 v8, $0.0e+00;
	v0 =	vmin.f32 v0, $2.555000000e+02  }
0x8e: {  	v17 =	vld [tilespmem:s19+$0xFFFFFFD0];
	v4 =	vmin.f32 v4, $2.555000000e+02;
	v2 =	vmin.f32 v2, $2.555000000e+02;
	v0 =	vtrunc.f32 v0  }
0x8f: {  	v18 =	vld [tilespmem:s19+$0x0];
	v5 =	vmin.f32 v5, $2.555000000e+02;
	v7 =	vmin.f32 v7, $2.555000000e+02;
	v0 =	vcvt.f32.s32 v0  }
0x90: {  	v6 =	vmin.f32 v6, $2.555000000e+02;
	v4 =	vtrunc.f32 v4;
	v14 =	vld.idx.msk [tilespmem:v1+s3+$0x0], $0xffff;
	v1 =	vmul.f32 $1.275000000e+02, v11  }
0x91: {  	v9 =	vmin.f32 v9, $2.555000000e+02;
	v5 =	vtrunc.f32 v5;
	v2 =	vtrunc.f32 v2;
	v11 =	vld [tilespmem:s31+$0x10]  }
0x92: {  	v9 =	vtrunc.f32 v9;
	v4 =	vcvt.f32.s32 v4;
	v15 =	vld.idx.msk [tilespmem:v3+s3+$0x0], $0xffff;
	v1 =	vadd.f32 $1.280000000e+02, v1  }
0x93: {  	v10 =	vmin.f32 v10, $2.555000000e+02;
	v2 =	vcvt.f32.s32 v2;
	v3 =	vcvt.f32.s32 v5;
	v5 =	vld [tilespmem:s19+$0xFFFFFFE0]  }
0x94: {  	v20 =	vld [tilespmem:s19+$0xFFFFFFF0];
	v6 =	vtrunc.f32 v6;
	v10 =	vtrunc.f32 v10;
	v1 =	vmax.f32 v1, $0.0e+00  }
0x95: {  	v19 =	vcvt.f32.s32 v9;
	v6 =	vcvt.f32.s32 v6;
	v0 =	vld.idx.msk [tilespmem:v0+s3+$0x0], $0xffff;
	v1 =	vmin.f32 v1, $2.555000000e+02  }
0x96: {  	v23 =	vld [tilespmem:s19+$0x30];
	v8 =	vmin.f32 v8, $2.555000000e+02;
	v11 =	vmul.f32 $1.275000000e+02, v11;
	v1 =	vtrunc.f32 v1  }
0x97: {  	v21 =	vld [tilespmem:s19+$0x20];
	v9 =	vmax.f32 v13, $0.0e+00;
	v13 =	vcvt.f32.s32 v1;
	v1 =	vtrunc.f32 v7  }
0x98: {  	v4 =	vld.idx.msk [tilespmem:v4+s3+$0x0], $0xffff;
	v5 =	vmul.f32 $1.275000000e+02, v5;
	v7 =	vmin.f32 v9, $2.555000000e+02;
	v22 =	vcvt.f32.s32 v1  }
0x99: {  	s20 =	simm.s32 $0x6140;
	v2 =	vld.idx.msk [tilespmem:v2+s3+$0x0], $0xffff;
	v1 =	vtrunc.f32 v7;
	v7 =	vtrunc.f32 v8  }
0x9a: {  	[tilespmem:s20+$0xFFFFFFE0] =	vst v0;
	v0 =	vld [tilespmem:s19+$0x10];
	v9 =	vmul.f32 $1.275000000e+02, v16;
	v24 =	vcvt.f32.s32 v7;
	v7 =	vmax.f32 v12, $0.0e+00  }
0x9b: {  	[tilespmem:s20+$0xFFFFFFD0] =	vst v15;
	v15 =	vmul.f32 $1.275000000e+02, v23;
	v25 =	vld.idx.msk [tilespmem:v3+s3+$0x0], $0xffff;
	v1 =	vcvt.f32.s32 v1;
	v7 =	vmin.f32 v7, $2.555000000e+02  }
0x9c: {  	v16 =	vmul.f32 $1.275000000e+02, v21;
	v12 =	vadd.f32 $1.280000000e+02, v9;
	v9 =	vtrunc.f32 v7;
	v7 =	vld.idx.msk [tilespmem:v6+s3+$0x0], $0xffff  }
0x9d: {  	[tilespmem:s20+$0x0] =	vst v4;
	v3 =	vld.idx.msk [tilespmem:v19+s3+$0x0], $0xffff;
	v8 =	vmul.f32 $1.275000000e+02, v18;
	v18 =	vadd.f32 $1.280000000e+02, v11;
	v6 =	vmul.f32 $1.275000000e+02, v20  }
0x9e: {  	[tilespmem:s20+$0x20] =	vst v2;
	v2 =	vcvt.f32.s32 v10;
	v11 =	vadd.f32 $1.280000000e+02, v16;
	v16 =	vadd.f32 $1.280000000e+02, v5;
	v4 =	vld.idx.msk [tilespmem:v22+s3+$0x0], $0xffff  }
0x9f: {  	s23 =	simm.s32 $0x10;
	[tilespmem:s20+$0xFFFFFFF0] =	vst v14;
	v18 =	vmax.f32 v18, $0.0e+00;
	v19 =	vmax.f32 v12, $0.0e+00;
	v14 =	vadd.f32 $1.280000000e+02, v6;
	v6 =	vld.idx.msk [tilespmem:v13+s3+$0x0], $0xffff  }
0xa0: {  	s21 =	simm.s32 $0x61C0;
	s24 =	simm.s32 $0x22C0;
	s22 =	simm.s32 $0x61C0;
	v12 =	vmul.f32 $1.275000000e+02, v17;
	[tilespmem:s20+$0x30] =	vst v25;
	v10 =	vmin.f32 v19, $2.555000000e+02;
	v13 =	vmin.f32 v18, $2.555000000e+02;
	v5 =	vld.idx.msk [tilespmem:v24+s3+$0x0], $0xffff  }
.LBB2_4:
0xa1: {  	s23 =	sadd.s32 $0x8, s23;
	v16 =	vmax.f32 v16, $0.0e+00;
	v14 =	vmax.f32 v14, $0.0e+00;
	v1 =	vld.idx.msk [tilespmem:v1+s3+$0x0], $0xffff;
	v9 =	vcvt.f32.s32 v9;
	s21 =	sadd.s32 $0x80, s21;
	[tilespmem:s20+$0x10] =	vst v7  }
0xa2: {  	v8 =	vadd.f32 $1.280000000e+02, v8;
	v15 =	vadd.f32 $1.280000000e+02, v15;
	v17 =	vld [tilespmem:s24+$0xFFFFFFE0];
	p0 =	slt.u32 s23, $0x1F8;
	v7 =	vmin.f32 v16, $2.555000000e+02;
	[tilespmem:s22+$0xFFFFFFF0] =	vst v3  }
0xa3: {  	v11 =	vmax.f32 v11, $0.0e+00;
	v14 =	vmin.f32 v14, $2.555000000e+02;
	v3 =	vld [tilespmem:s19+$0xFFFFFFC0];
	v7 =	vtrunc.f32 v7;
	[tilespmem:s20+$0xFFFFFFC0] =	vst v4;
	s20 =	smov.u32 s22;
	s22 =	smov.u32 s21;
	s19 =	smov.u32 s24  }
0xa4: {  	v13 =	vtrunc.f32 v13;
	v4 =	vadd.f32 $1.280000000e+02, v12;
	v12 =	vtrunc.f32 v14;
	v18 =	vld [tilespmem:s24+$0xFFFFFFD0]  }
0xa5: {  	v8 =	vmax.f32 v8, $0.0e+00;
	v12 =	vcvt.f32.s32 v12;
	v14 =	vld [tilespmem:s24+$0x0];
	[tilespmem:s20+$0x0] =	vst v5;
	v5 =	vcvt.f32.s32 v13  }
0xa6: {  	v19 =	vcvt.f32.s32 v7;
	v7 =	vtrunc.f32 v10;
	v4 =	vmax.f32 v4, $0.0e+00;
	v13 =	vld [tilespmem:s24+$0xFFFFFFF0];
	[tilespmem:s20+$0xFFFFFFE0] =	vst v6  }
0xa7: {  	v8 =	vmin.f32 v8, $2.555000000e+02;
	v10 =	vcvt.f32.s32 v7;
	v4 =	vmin.f32 v4, $2.555000000e+02;
	v6 =	vld [tilespmem:s24+$0x20];
	[tilespmem:s20+$0xFFFFFFD0] =	vst v1  }
0xa8: {  	v11 =	vmin.f32 v11, $2.555000000e+02;
	v1 =	vtrunc.f32 v4;
	v4 =	vtrunc.f32 v8;
	v2 =	vld.idx.msk [tilespmem:v2+s3+$0x0], $0xffff  }
0xa9: {  	v3 =	vmul.f32 $1.275000000e+02, v3;
	v21 =	vcvt.f32.s32 v4;
	v4 =	vmax.f32 v15, $0.0e+00;
	v20 =	vld [tilespmem:s24+$0x30]  }
0xaa: {  	v0 =	vmul.f32 $1.275000000e+02, v0;
	v1 =	vcvt.f32.s32 v1;
	v4 =	vmin.f32 v4, $2.555000000e+02;
	v22 =	vld.idx.msk [tilespmem:v9+s3+$0x0], $0xffff  }
0xab: {  	v8 =	vmul.f32 $1.275000000e+02, v14;
	v14 =	vadd.f32 $1.280000000e+02, v3;
	v9 =	vtrunc.f32 v4;
	v7 =	vld.idx.msk [tilespmem:v5+s3+$0x0], $0xffff  }
.Ltmp1:
0xac: {  	v5 =	vmul.f32 $1.275000000e+02, v13;
	v6 =	vmul.f32 $1.275000000e+02, v6;
	v3 =	vld.idx.msk [tilespmem:v12+s3+$0x0], $0xffff;
	v12 =	vadd.f32 $1.280000000e+02, v0;
	(pc) =	sbr.rel @p0 .LBB2_4-.Ltmp1, $4  }
0xad: {  	v23 =	vtrunc.f32 v11;
	v13 =	vmul.f32 $1.275000000e+02, v17;
	v17 =	vmax.f32 v14, $0.0e+00;
	v4 =	vld.idx.msk [tilespmem:v10+s3+$0x0], $0xffff  }
0xae: {  	v14 =	vadd.f32 $1.280000000e+02, v5;
	v0 =	vld [tilespmem:s24+$0x10];
	v11 =	vadd.f32 $1.280000000e+02, v6;
	v24 =	vmax.f32 v12, $0.0e+00;
	[tilespmem:s20+$0x20] =	vst v2  }
0xaf: {  	v16 =	vadd.f32 $1.280000000e+02, v13;
	v15 =	vmul.f32 $1.275000000e+02, v20;
	v2 =	vcvt.f32.s32 v23;
	v5 =	vld.idx.msk [tilespmem:v21+s3+$0x0], $0xffff  }
0xb0: {  	v10 =	vmin.f32 v17, $2.555000000e+02;
	v12 =	vmul.f32 $1.275000000e+02, v18;
	s24 =	sadd.s32 $0x80, s24;
	v13 =	vmin.f32 v24, $2.555000000e+02;
	v6 =	vld.idx.msk [tilespmem:v19+s3+$0x0], $0xffff;
	[tilespmem:s20+$0x30] =	vst v22  }
0xb1: {  	v16 =	vmax.f32 v16, $0.0e+00;
	v14 =	vmax.f32 v14, $0.0e+00  }
0xb2: {  	v9 =	vcvt.f32.s32 v9;
	v8 =	vadd.f32 $1.280000000e+02, v8;
	v15 =	vadd.f32 $1.280000000e+02, v15  }
0xb3: {  	v11 =	vmax.f32 v11, $0.0e+00;
	v13 =	vtrunc.f32 v13;
	v10 =	vtrunc.f32 v10  }
0xb4: {  	v17 =	vld [tilespmem:s19+$0xFFFFFFC0];
	v16 =	vmin.f32 v16, $2.555000000e+02;
	v14 =	vmin.f32 v14, $2.555000000e+02;
	v12 =	vadd.f32 $1.280000000e+02, v12  }
0xb5: {  	v13 =	vcvt.f32.s32 v13;
	v10 =	vcvt.f32.s32 v10;
	v11 =	vmin.f32 v11, $2.555000000e+02  }
0xb6: {  	v16 =	vtrunc.f32 v16;
	v14 =	vtrunc.f32 v14;
	v8 =	vmax.f32 v8, $0.0e+00  }
0xb7: {  	v0 =	vmul.f32 $1.275000000e+02, v0;
	v48 =	vmax.f32 v15, $0.0e+00;
	v52 =	vtrunc.f32 v11  }
0xb8: {  	v14 =	vcvt.f32.s32 v14;
	v12 =	vmax.f32 v12, $0.0e+00;
	v16 =	vcvt.f32.s32 v16  }
0xb9: {  	v8 =	vmin.f32 v8, $2.555000000e+02;
	v12 =	vmin.f32 v12, $2.555000000e+02;
	v17 =	vmul.f32 $1.275000000e+02, v17  }
0xba: {  	[tilespmem:s20+$0x10] =	vst v7;
	v1 =	vld.idx.msk [tilespmem:v1+s3+$0x0], $0xffff;
	v8 =	vtrunc.f32 v8;
	v0 =	vadd.f32 $1.280000000e+02, v0;
	v12 =	vtrunc.f32 v12  }
0xbb: {  	[tilespmem:s22+$0xFFFFFFF0] =	vst v3;
	v2 =	vld.idx.msk [tilespmem:v2+s3+$0x0], $0xffff;
	v47 =	vcvt.f32.s32 v8;
	v8 =	vmin.f32 v48, $2.555000000e+02;
	v50 =	vadd.f32 $1.280000000e+02, v17  }
0xbc: {  	[tilespmem:s20+$0xFFFFFFC0] =	vst v4;
	v49 =	vcvt.f32.s32 v12;
	v51 =	vld.idx.msk [tilespmem:v9+s3+$0x0], $0xffff;
	v8 =	vtrunc.f32 v8;
	v0 =	vmax.f32 v0, $0.0e+00  }
0xbd: {  	[tilespmem:s22+$0x0] =	vst v5;
	v9 =	vcvt.f32.s32 v52;
	v53 =	vld.idx.msk [tilespmem:v13+s3+$0x0], $0xffff;
	v0 =	vmin.f32 v0, $2.555000000e+02;
	v54 =	vmax.f32 v50, $0.0e+00  }
0xbe: {  	[tilespmem:s22+$0xFFFFFFE0] =	vst v6;
	v8 =	vcvt.f32.s32 v8;
	v56 =	vld.idx.msk [tilespmem:v10+s3+$0x0], $0xffff;
	v0 =	vtrunc.f32 v0;
	v11 =	vmin.f32 v54, $2.555000000e+02  }
0xbf: {  	[tilespmem:s22+$0xFFFFFFD0] =	vst v1;
	v55 =	vld.idx.msk [tilespmem:v14+s3+$0x0], $0xffff;
	v0 =	vcvt.f32.s32 v0;
	v57 =	vtrunc.f32 v11  }
0xc0: {  	[tilespmem:s22+$0x20] =	vst v2;
	v60 =	vld.idx.msk [tilespmem:v16+s3+$0x0], $0xffff;
	v59 =	vcvt.f32.s32 v57  }
0xc1: {  	v58 =	vld.idx.msk [tilespmem:v47+s3+$0x0], $0xffff;
	[tilespmem:s22+$0x30] =	vst v51  }
0xc2: {  	v3 =	vld.idx.msk [tilespmem:v49+s3+$0x0], $0xffff;
	[tilespmem:s22+$0x10] =	vst v53  }
0xc3: {  	s31 =	sadd.s32 $0x80, s21;
	v61 =	vld.idx.msk [tilespmem:v9+s3+$0x0], $0xffff;
	[tilespmem:s22+$0xFFFFFFC0] =	vst v56  }
0xc4: {  	v62 =	vld.idx.msk [tilespmem:v8+s3+$0x0], $0xffff;
	[tilespmem:s31+$0xFFFFFFF0] =	vst v55  }
0xc5: {  	[tilespmem:s31+$0xFFFFFFE0] =	vst v60;
	v0 =	vld.idx.msk [tilespmem:v0+s3+$0x0], $0xffff  }
0xc6: {  	[tilespmem:s31+$0x0] =	vst v58;
	v63 =	vld.idx.msk [tilespmem:v59+s3+$0x0], $0xffff  }
0xc7: {  	[tilespmem:s31+$0xFFFFFFD0] =	vst v3  }
0xc8: {  	[tilespmem:s31+$0x20] =	vst v61  }
0xc9: {  	[tilespmem:s31+$0x30] =	vst v62  }
0xca: {  	[tilespmem:s31+$0x10] =	vst v0  }
0xcb: {  	s18 =	sadd.s32 $0x1, s18;
	[tilespmem:s31+$0xFFFFFFC0] =	vst v63  }
0xcc: {  	[hbm4b:s7+s3] =	stream.linear.scatter [tilespmem:s15], [sflag:$0x4], $0x2000, $0x38;
	[tilespmem:$0x8100] =	vst v63  }
0xcd: {  	p0 =	sne.s32 s18, s8;
	_ =	swait.ge [sflag:s16], $0x2000  }
.Ltmp2:
0xce: {  	[sflag:s16] =	ssyncset.done $0x0;
	(pc) =	sbr.rel @p0 .LBB2_1-.Ltmp2, $4  }
0xcf: {  	[sflag:s16] =	ssyncadd.s32 $0xFFFFE000  }
0xd0: {  	_ =	swait.ge [sflag:s17], $0x2000  }
0xd1: {  	[sflag:s17] =	ssyncset.done $0x0  }
0xd2: {  	[sflag:s17] =	ssyncadd.s32 $0xFFFFE000  }
0xd3: {  	_ =	sfence.sel $0x180000  }
0xd4: {  	[bflag:$0x0] =	sbarrier.arrive $0xFFFF  }
0xd5: {  	p0 =	sne.s32 s2, $0x0;
	_ =	strace $0x90000047  }
0xd6: {  	s0 =	sadd.s32 @!p0 $0x100000, s0;
	[bflag:$0x2] =	sbarrier.arrive $0xFFFF  }
0xd7: {  	[sflag:s0] =	ssyncadd.tile.s32 @!p0 $0x1;
	_ =	shalt  }
.Lfunc_end2:
_tile_overlayer_lowered:
.L_overlay_start_2:
0xd8: {  	(tag) =	ssettag $0x2  }
0xd9: {  	s0 =	rddreg [dreg:$0x0];
	s2 =	stileid.u32  }
0xda: {  	s1 =	rddreg [dreg:$0x1];
	p0 =	sne.s32 s2, $0x0  }
0xdb: {  	s3 =	rddreg [dreg:$0x2];
	[bflag:$0x3] =	sbarrier.arrive $0xFFFF;
	s2 =	simm.s32 @!p0 $0x1C06  }
0xdc: {  	[timem:s3], [sflag:s2] =	dma.local @!p0 [hbm:s0], s1  }
0xdd: {  	s0 =	simm.s32 @!p0 $0x6  }
0xde: {  	_ =	swait.ge @!p0 [sflag:s0], s1  }
0xdf: {  	s1 =	ssub.s32 @!p0 $0x0, s1;
	[sflag:s0] =	ssyncset.done @!p0 $0x0  }
0xe0: {  	[sflag:s0] =	ssyncadd.s32 @!p0 s1  }
0xe1: {  	[bflag:$0x3] =	sbarrier.arrive $0xFFFF  }
0xe2: {  	_ =	shalt  }

</sc_bundles>
